<compile_context>
chip_gen: v7x
topology: tpu7x:2x2x1
jax: 0.10.2.dev20260603
libtpu: 0.0.44.dev20260713+nightly
codegen_flags: <defaults>
</compile_context>

<pallas_src>
import functools

import jax
import jax.numpy as jnp
from jax import lax
from jax.experimental import pallas as pl
from jax.experimental.pallas import tpu as pltpu
from jax.experimental.pallas import tpu_sc as plsc

_INDEX_SIZE = 28996
_EMBED_DIM = 128
_BATCH = 4096
_SEQ = 200

_B = _BATCH * _SEQ
_NC = 2
_NS = 16
_NW = _NC * _NS
_B_PER_W = _B // _NW
_IDXROW = 128
_GC = 2
_ROWS = _GC * _IDXROW
_NCHUNK = _B_PER_W // _ROWS
_NIDX = _B_PER_W // _IDXROW
_NB = 3
_K = 2
_NG = 33


def _make_gather():
    mesh = plsc.VectorSubcoreMesh(core_axis_name="c", subcore_axis_name="s")

    @functools.partial(
        pl.kernel,
        mesh=mesh,
        out_type=jax.ShapeDtypeStruct((_B, _EMBED_DIM), jnp.float32),
        scratch_types=(
            [pltpu.VMEM((_NIDX, _IDXROW), jnp.int32)]
            + [pltpu.VMEM((_ROWS, _EMBED_DIM), jnp.float32) for _ in range(_NB)]
            + [pltpu.SemaphoreType.DMA for _ in range(2 * _NB)]
        ),
    )
    def gather_kernel(table_hbm, idx_hbm, out_hbm, idx_v, *rest):
        rows = rest[:_NB]
        sem_g = rest[_NB:2 * _NB]
        sem_w = rest[2 * _NB:]

        wid = lax.axis_index("s") * _NC + lax.axis_index("c")
        base = wid * _B_PER_W

        pltpu.sync_copy(idx_hbm.at[wid], idx_v)

        def start_gather(j, b):
            for k in range(_GC):
                pltpu.async_copy(
                    table_hbm.at[idx_v.at[j * _GC + k]],
                    rows[b].at[pl.ds(k * _IDXROW, _IDXROW)],
                    sem_g[b],
                )

        def wait_gather(j, b):
            for k in range(_GC):
                pltpu.make_async_copy(
                    table_hbm.at[idx_v.at[j * _GC + k]],
                    rows[b].at[pl.ds(k * _IDXROW, _IDXROW)],
                    sem_g[b],
                ).wait()

        def out_slice(j):
            return out_hbm.at[pl.ds(base + j * _ROWS, _ROWS)]

        def start_wb(j, b):
            pltpu.async_copy(rows[b], out_slice(j), sem_w[b])

        def wait_wb(j, b):
            pltpu.make_async_copy(rows[b], out_slice(j), sem_w[b]).wait()

        def body(g, _):
            j0 = g * _NB
            for b in range(_NB):
                j = j0 + b

                @pl.when(g > 0)
                def _():
                    wait_wb(j - _NB, b)

                start_gather(j, b)
                jw = j - _K
                bw = (b - _K) % _NB
                if b >= _K:
                    wait_gather(jw, bw)
                    start_wb(jw, bw)
                else:
                    @pl.when(g > 0)
                    def _():
                        wait_gather(jw, bw)
                        start_wb(jw, bw)
            return 0

        lax.fori_loop(0, _NG, body, 0)

        wait_wb(96, 0)
        start_gather(99, 0)
        wait_gather(97, 1)
        start_wb(97, 1)
        wait_gather(98, 2)
        start_wb(98, 2)
        wait_gather(99, 0)
        start_wb(99, 0)
        wait_wb(97, 1)
        wait_wb(98, 2)
        wait_wb(99, 0)

    return gather_kernel


_gather = _make_gather()


@jax.jit
def kernel(x, table):
    idx = x.reshape(_NW, _NIDX, _IDXROW)
    out = _gather(table, idx)
    return out.reshape(_BATCH, _SEQ, _EMBED_DIM)

# --- scband reference (transcript-rebuilt; emitter-appended) ---
"""Pipeline reference for scband-sub-word-in-put-layer-76622216560738 (READ-ONLY COPY).

The authoritative reference and input builder live on the scoring server;
editing this copy changes nothing except your own understanding.
"""

import jax, jax.numpy as jnp
import numpy as np

INDEX_SIZE = 28996
EMBED_DIM = 128
BATCH = 4096
SEQ = 200

def setup_inputs(seed: int = 0) -> dict:
    key = jax.random.key(seed)
    k1, k2 = jax.random.split(key)
    x = jax.random.randint(k1, (BATCH, SEQ), 0, INDEX_SIZE, dtype=jnp.int32)
    table = jax.random.normal(k2, (INDEX_SIZE, EMBED_DIM), dtype=jnp.float32)
    # nn.Embedding(padding_idx=0) initializes the padding row to zeros
    table = table.at[0].set(0.0)
    return {"x": x, "table": table}

def reference(x, table):
    # output = self.embedding(x)
    return jnp.take(table, x, axis=0)

if __name__ == "__main__":
    import jax
    _d = setup_inputs()
    print(jax.jit(kernel)(*tuple(_d.values())))

</pallas_src>

<mosaic_0001>
#map = affine_map<(d0, d1) -> (0, 0)>
#map1 = affine_map<(d0, d1) -> (0, 0, 0)>
module attributes {stable_mosaic.version = 14 : i64} {
  func.func @gather_kernel(%arg0: i32, %arg1: i32, %arg2: memref<28996x128xf32, #tpu.memory_space<hbm>>, %arg3: memref<32x200x128xi32, #tpu.memory_space<hbm>>, %arg4: memref<819200x128xf32, #tpu.memory_space<hbm>>, %arg5: memref<200x128xi32, #tpu.memory_space<vmem>>, %arg6: memref<256x128xf32, #tpu.memory_space<vmem>>, %arg7: memref<256x128xf32, #tpu.memory_space<vmem>>, %arg8: memref<256x128xf32, #tpu.memory_space<vmem>>, %arg9: memref<!tpu.dma_semaphore, #tpu.memory_space<semaphore_mem>>, %arg10: memref<!tpu.dma_semaphore, #tpu.memory_space<semaphore_mem>>, %arg11: memref<!tpu.dma_semaphore, #tpu.memory_space<semaphore_mem>>, %arg12: memref<!tpu.dma_semaphore, #tpu.memory_space<semaphore_mem>>, %arg13: memref<!tpu.dma_semaphore, #tpu.memory_space<semaphore_mem>>, %arg14: memref<!tpu.dma_semaphore, #tpu.memory_space<semaphore_mem>>) attributes {dimension_semantics = [#tpu.dimension_semantics<core_parallel>, #tpu.dimension_semantics<subcore_parallel>], iteration_bounds = array<i64: 2, 16>, scalar_prefetch = 0 : i64, scratch_operands = 10 : i64, tpu.core_type = #tpu.core_type<sc_vector_subcore>, window_params = [{transform_indices = #map}, {transform_indices = #map1}, {transform_indices = #map}]} {
    %mul3A = arith.constant 2 : i32
    %mul3A_0 = arith.muli %arg1, %mul3A : i32
    %add3A = arith.addi %mul3A_0, %arg0 : i32
    %mul3A_1 = arith.constant 25600 : i32
    %mul3A_2 = arith.muli %add3A, %mul3A_1 : i32
    "tpu.region"() ({
      %run_scoped3A = tpu.sem_alloc : memref<!tpu.dma_semaphore, #tpu.memory_space<semaphore_mem>>
      %dma_start3A_129 = arith.constant 0 : i32
      %dma_start3A_130 = arith.constant 0 : i32
      %dma_start3A_131 = tpu.memref_slice %arg3[%add3A, %dma_start3A_129, %dma_start3A_130] : memref<32x200x128xi32, #tpu.memory_space<hbm>> -> memref<1x200x128xi32, #tpu.memory_space<hbm>>
      %dma_start3A_132 = tpu.memref_squeeze %dma_start3A_131 : memref<1x200x128xi32, #tpu.memory_space<hbm>> -> memref<200x128xi32, #tpu.memory_space<hbm>>
      %dma_start3A_133 = arith.constant 0 : i32
      %dma_start3A_134 = arith.constant 0 : i32
      %dma_start3A_135 = tpu.memref_slice %arg3[%add3A, %dma_start3A_133, %dma_start3A_134] : memref<32x200x128xi32, #tpu.memory_space<hbm>> -> memref<1x200x128xi32, #tpu.memory_space<hbm>>
      %dma_start3A_136 = tpu.memref_squeeze %dma_start3A_135 : memref<1x200x128xi32, #tpu.memory_space<hbm>> -> memref<200x128xi32, #tpu.memory_space<hbm>>
      tpu.enqueue_dma source(%dma_start3A_136 : memref<200x128xi32, #tpu.memory_space<hbm>>) target(%arg5 : memref<200x128xi32, #tpu.memory_space<vmem>>) target_semaphore(%run_scoped3A : memref<!tpu.dma_semaphore, #tpu.memory_space<semaphore_mem>>)
      %dma_wait3A_137 = arith.constant 0 : i32
      %dma_wait3A_138 = arith.constant 0 : i32
      %dma_wait3A_139 = tpu.memref_slice %arg3[%add3A, %dma_wait3A_137, %dma_wait3A_138] : memref<32x200x128xi32, #tpu.memory_space<hbm>> -> memref<1x200x128xi32, #tpu.memory_space<hbm>>
      %dma_wait3A_140 = tpu.memref_squeeze %dma_wait3A_139 : memref<1x200x128xi32, #tpu.memory_space<hbm>> -> memref<200x128xi32, #tpu.memory_space<hbm>>
      %dma_wait3A_141 = arith.constant 0 : i32
      %dma_wait3A_142 = arith.constant 0 : i32
      %dma_wait3A_143 = tpu.memref_slice %arg3[%add3A, %dma_wait3A_141, %dma_wait3A_142] : memref<32x200x128xi32, #tpu.memory_space<hbm>> -> memref<1x200x128xi32, #tpu.memory_space<hbm>>
      %dma_wait3A_144 = tpu.memref_squeeze %dma_wait3A_143 : memref<1x200x128xi32, #tpu.memory_space<hbm>> -> memref<200x128xi32, #tpu.memory_space<hbm>>
      tpu.wait_dma2 semaphore(%run_scoped3A : memref<!tpu.dma_semaphore, #tpu.memory_space<semaphore_mem>>) src(%dma_wait3A_144 : memref<200x128xi32, #tpu.memory_space<hbm>>) dst(%arg5 : memref<200x128xi32, #tpu.memory_space<vmem>>)
      tpu.yield
    }) : () -> ()
    %scan3A = arith.constant 0 : i32
    %scan3A_3 = arith.constant 0 : i32
    %scan3A_4 = arith.constant 33 : i32
    %scan3A_5 = arith.addi %scan3A_3, %scan3A_4 : i32
    %scan3A_6 = arith.constant 1 : i32
    %scan3A_7 = scf.for %scan3A_129 = %scan3A_3 to %scan3A_5 step %scan3A_6 iter_args(%scan3A_130 = %scan3A) -> (i32)  : i32 {
      %mul3A_131 = arith.constant 3 : i32
      %mul3A_132 = arith.muli %scan3A_129, %mul3A_131 : i32
      %add3A_133 = arith.constant 0 : i32
      %add3A_134 = arith.addi %mul3A_132, %add3A_133 : i32
      %gt3A = arith.constant 0 : i32
      %gt3A_135 = arith.cmpi sgt, %scan3A_129, %gt3A : i32
      %convert_element_type3A = arith.extui %gt3A_135 : i1 to i32
      %cond3A = arith.constant 0 : i32
      %cond3A_136 = arith.cmpi ne, %convert_element_type3A, %cond3A : i32
      scf.if %cond3A_136 {
        %sub3A_278 = arith.constant 3 : i32
        %sub3A_279 = arith.subi %add3A_134, %sub3A_278 : i32
        %mul3A_280 = arith.constant 256 : i32
        %mul3A_281 = arith.muli %sub3A_279, %mul3A_280 : i32
        %add3A_282 = arith.addi %mul3A_2, %mul3A_281 : i32
        %dma_wait3A_283 = arith.constant 0 : i32
        %dma_wait3A_284 = tpu.memref_slice %arg4[%add3A_282, %dma_wait3A_283] : memref<819200x128xf32, #tpu.memory_space<hbm>> -> memref<256x128xf32, #tpu.memory_space<hbm>>
        %dma_wait3A_285 = arith.constant 0 : i32
        %dma_wait3A_286 = tpu.memref_slice %arg4[%add3A_282, %dma_wait3A_285] : memref<819200x128xf32, #tpu.memory_space<hbm>> -> memref<256x128xf32, #tpu.memory_space<hbm>>
        tpu.wait_dma2 semaphore(%arg12 : memref<!tpu.dma_semaphore, #tpu.memory_space<semaphore_mem>>) src(%arg6 : memref<256x128xf32, #tpu.memory_space<vmem>>) dst(%dma_wait3A_286 : memref<256x128xf32, #tpu.memory_space<hbm>>)
      } else {
      }
      %mul3A_137 = arith.constant 2 : i32
      %mul3A_138 = arith.muli %add3A_134, %mul3A_137 : i32
      %add3A_139 = arith.constant 0 : i32
      %add3A_140 = arith.addi %mul3A_138, %add3A_139 : i32
      %dma_start3A_141 = arith.constant 0 : i32
      %dma_start3A_142 = arith.constant 0 : i32
      %dma_start3A_143 = tpu.memref_slice %arg6[%dma_start3A_141, %dma_start3A_142] : memref<256x128xf32, #tpu.memory_space<vmem>> -> memref<128x128xf32, #tpu.memory_space<vmem>>
      %dma_start3A_144 = arith.constant 0 : i32
      %dma_start3A_145 = tpu.memref_slice %arg5[%add3A_140, %dma_start3A_144] : memref<200x128xi32, #tpu.memory_space<vmem>> -> memref<1x128xi32, #tpu.memory_space<vmem>>
      %dma_start3A_146 = tpu.memref_squeeze %dma_start3A_145 : memref<1x128xi32, #tpu.memory_space<vmem>> -> memref<128xi32, #tpu.memory_space<vmem>>
      %dma_start3A_147 = arith.constant 0 : i32
      %dma_start3A_148 = arith.constant 0 : i32
      %dma_start3A_149 = tpu.memref_slice %arg2[%dma_start3A_147, %dma_start3A_148] : memref<28996x128xf32, #tpu.memory_space<hbm>> -> memref<28996x128xf32, #tpu.memory_space<hbm>>
      tpu.enqueue_indirect_dma source(%dma_start3A_149 : memref<28996x128xf32, #tpu.memory_space<hbm>>) target(%dma_start3A_143 : memref<128x128xf32, #tpu.memory_space<vmem>>) offsets(%dma_start3A_146 : memref<128xi32, #tpu.memory_space<vmem>>) semaphore(%arg9 : memref<!tpu.dma_semaphore, #tpu.memory_space<semaphore_mem>>)
      %mul3A_150 = arith.constant 2 : i32
      %mul3A_151 = arith.muli %add3A_134, %mul3A_150 : i32
      %add3A_152 = arith.constant 1 : i32
      %add3A_153 = arith.addi %mul3A_151, %add3A_152 : i32
      %dma_start3A_154 = arith.constant 128 : i32
      %dma_start3A_155 = arith.constant 0 : i32
      %dma_start3A_156 = tpu.memref_slice %arg6[%dma_start3A_154, %dma_start3A_155] : memref<256x128xf32, #tpu.memory_space<vmem>> -> memref<128x128xf32, #tpu.memory_space<vmem>>
      %dma_start3A_157 = arith.constant 0 : i32
      %dma_start3A_158 = tpu.memref_slice %arg5[%add3A_153, %dma_start3A_157] : memref<200x128xi32, #tpu.memory_space<vmem>> -> memref<1x128xi32, #tpu.memory_space<vmem>>
      %dma_start3A_159 = tpu.memref_squeeze %dma_start3A_158 : memref<1x128xi32, #tpu.memory_space<vmem>> -> memref<128xi32, #tpu.memory_space<vmem>>
      %dma_start3A_160 = arith.constant 0 : i32
      %dma_start3A_161 = arith.constant 0 : i32
      %dma_start3A_162 = tpu.memref_slice %arg2[%dma_start3A_160, %dma_start3A_161] : memref<28996x128xf32, #tpu.memory_space<hbm>> -> memref<28996x128xf32, #tpu.memory_space<hbm>>
      tpu.enqueue_indirect_dma source(%dma_start3A_162 : memref<28996x128xf32, #tpu.memory_space<hbm>>) target(%dma_start3A_156 : memref<128x128xf32, #tpu.memory_space<vmem>>) offsets(%dma_start3A_159 : memref<128xi32, #tpu.memory_space<vmem>>) semaphore(%arg9 : memref<!tpu.dma_semaphore, #tpu.memory_space<semaphore_mem>>)
      %sub3A = arith.constant 2 : i32
      %sub3A_163 = arith.subi %add3A_134, %sub3A : i32
      %gt3A_164 = arith.constant 0 : i32
      %gt3A_165 = arith.cmpi sgt, %scan3A_129, %gt3A_164 : i32
      %convert_element_type3A_166 = arith.extui %gt3A_165 : i1 to i32
      %cond3A_167 = arith.constant 0 : i32
      %cond3A_168 = arith.cmpi ne, %convert_element_type3A_166, %cond3A_167 : i32
      scf.if %cond3A_168 {
        %mul3A_278 = arith.constant 2 : i32
        %mul3A_279 = arith.muli %sub3A_163, %mul3A_278 : i32
        %add3A_280 = arith.constant 0 : i32
        %add3A_281 = arith.addi %mul3A_279, %add3A_280 : i32
        %dma_wait3A_282 = arith.constant 0 : i32
        %dma_wait3A_283 = arith.constant 0 : i32
        %dma_wait3A_284 = tpu.memref_slice %arg7[%dma_wait3A_282, %dma_wait3A_283] : memref<256x128xf32, #tpu.memory_space<vmem>> -> memref<128x128xf32, #tpu.memory_space<vmem>>
        %dma_wait3A_285 = arith.constant 0 : i32
        %dma_wait3A_286 = tpu.memref_slice %arg5[%add3A_281, %dma_wait3A_285] : memref<200x128xi32, #tpu.memory_space<vmem>> -> memref<1x128xi32, #tpu.memory_space<vmem>>
        %dma_wait3A_287 = tpu.memref_squeeze %dma_wait3A_286 : memref<1x128xi32, #tpu.memory_space<vmem>> -> memref<128xi32, #tpu.memory_space<vmem>>
        %dma_wait3A_288 = arith.constant 0 : i32
        %dma_wait3A_289 = arith.constant 0 : i32
        %dma_wait3A_290 = tpu.memref_slice %arg2[%dma_wait3A_288, %dma_wait3A_289] : memref<28996x128xf32, #tpu.memory_space<hbm>> -> memref<28996x128xf32, #tpu.memory_space<hbm>>
        tpu.wait_indirect_dma semaphore(%arg10 : memref<!tpu.dma_semaphore, #tpu.memory_space<semaphore_mem>>) src(%dma_wait3A_290 : memref<28996x128xf32, #tpu.memory_space<hbm>>) dst(%dma_wait3A_284 : memref<128x128xf32, #tpu.memory_space<vmem>>)
        %mul3A_291 = arith.constant 2 : i32
        %mul3A_292 = arith.muli %sub3A_163, %mul3A_291 : i32
        %add3A_293 = arith.constant 1 : i32
        %add3A_294 = arith.addi %mul3A_292, %add3A_293 : i32
        %dma_wait3A_295 = arith.constant 128 : i32
        %dma_wait3A_296 = arith.constant 0 : i32
        %dma_wait3A_297 = tpu.memref_slice %arg7[%dma_wait3A_295, %dma_wait3A_296] : memref<256x128xf32, #tpu.memory_space<vmem>> -> memref<128x128xf32, #tpu.memory_space<vmem>>
        %dma_wait3A_298 = arith.constant 0 : i32
        %dma_wait3A_299 = tpu.memref_slice %arg5[%add3A_294, %dma_wait3A_298] : memref<200x128xi32, #tpu.memory_space<vmem>> -> memref<1x128xi32, #tpu.memory_space<vmem>>
        %dma_wait3A_300 = tpu.memref_squeeze %dma_wait3A_299 : memref<1x128xi32, #tpu.memory_space<vmem>> -> memref<128xi32, #tpu.memory_space<vmem>>
        %dma_wait3A_301 = arith.constant 0 : i32
        %dma_wait3A_302 = arith.constant 0 : i32
        %dma_wait3A_303 = tpu.memref_slice %arg2[%dma_wait3A_301, %dma_wait3A_302] : memref<28996x128xf32, #tpu.memory_space<hbm>> -> memref<28996x128xf32, #tpu.memory_space<hbm>>
        tpu.wait_indirect_dma semaphore(%arg10 : memref<!tpu.dma_semaphore, #tpu.memory_space<semaphore_mem>>) src(%dma_wait3A_303 : memref<28996x128xf32, #tpu.memory_space<hbm>>) dst(%dma_wait3A_297 : memref<128x128xf32, #tpu.memory_space<vmem>>)
        %mul3A_304 = arith.constant 256 : i32
        %mul3A_305 = arith.muli %sub3A_163, %mul3A_304 : i32
        %add3A_306 = arith.addi %mul3A_2, %mul3A_305 : i32
        %dma_start3A_307 = arith.constant 0 : i32
        %dma_start3A_308 = tpu.memref_slice %arg4[%add3A_306, %dma_start3A_307] : memref<819200x128xf32, #tpu.memory_space<hbm>> -> memref<256x128xf32, #tpu.memory_space<hbm>>
        %dma_start3A_309 = arith.constant 0 : i32
        %dma_start3A_310 = tpu.memref_slice %arg4[%add3A_306, %dma_start3A_309] : memref<819200x128xf32, #tpu.memory_space<hbm>> -> memref<256x128xf32, #tpu.memory_space<hbm>>
        tpu.enqueue_dma source(%arg7 : memref<256x128xf32, #tpu.memory_space<vmem>>) target(%dma_start3A_310 : memref<256x128xf32, #tpu.memory_space<hbm>>) target_semaphore(%arg13 : memref<!tpu.dma_semaphore, #tpu.memory_space<semaphore_mem>>)
      } else {
      }
      %add3A_169 = arith.constant 1 : i32
      %add3A_170 = arith.addi %mul3A_132, %add3A_169 : i32
      %gt3A_171 = arith.constant 0 : i32
      %gt3A_172 = arith.cmpi sgt, %scan3A_129, %gt3A_171 : i32
      %convert_element_type3A_173 = arith.extui %gt3A_172 : i1 to i32
      %cond3A_174 = arith.constant 0 : i32
      %cond3A_175 = arith.cmpi ne, %convert_element_type3A_173, %cond3A_174 : i32
      scf.if %cond3A_175 {
        %sub3A_278 = arith.constant 3 : i32
        %sub3A_279 = arith.subi %add3A_170, %sub3A_278 : i32
        %mul3A_280 = arith.constant 256 : i32
        %mul3A_281 = arith.muli %sub3A_279, %mul3A_280 : i32
        %add3A_282 = arith.addi %mul3A_2, %mul3A_281 : i32
        %dma_wait3A_283 = arith.constant 0 : i32
        %dma_wait3A_284 = tpu.memref_slice %arg4[%add3A_282, %dma_wait3A_283] : memref<819200x128xf32, #tpu.memory_space<hbm>> -> memref<256x128xf32, #tpu.memory_space<hbm>>
        %dma_wait3A_285 = arith.constant 0 : i32
        %dma_wait3A_286 = tpu.memref_slice %arg4[%add3A_282, %dma_wait3A_285] : memref<819200x128xf32, #tpu.memory_space<hbm>> -> memref<256x128xf32, #tpu.memory_space<hbm>>
        tpu.wait_dma2 semaphore(%arg13 : memref<!tpu.dma_semaphore, #tpu.memory_space<semaphore_mem>>) src(%arg7 : memref<256x128xf32, #tpu.memory_space<vmem>>) dst(%dma_wait3A_286 : memref<256x128xf32, #tpu.memory_space<hbm>>)
      } else {
      }
      %mul3A_176 = arith.constant 2 : i32
      %mul3A_177 = arith.muli %add3A_170, %mul3A_176 : i32
      %add3A_178 = arith.constant 0 : i32
      %add3A_179 = arith.addi %mul3A_177, %add3A_178 : i32
      %dma_start3A_180 = arith.constant 0 : i32
      %dma_start3A_181 = arith.constant 0 : i32
      %dma_start3A_182 = tpu.memref_slice %arg7[%dma_start3A_180, %dma_start3A_181] : memref<256x128xf32, #tpu.memory_space<vmem>> -> memref<128x128xf32, #tpu.memory_space<vmem>>
      %dma_start3A_183 = arith.constant 0 : i32
      %dma_start3A_184 = tpu.memref_slice %arg5[%add3A_179, %dma_start3A_183] : memref<200x128xi32, #tpu.memory_space<vmem>> -> memref<1x128xi32, #tpu.memory_space<vmem>>
      %dma_start3A_185 = tpu.memref_squeeze %dma_start3A_184 : memref<1x128xi32, #tpu.memory_space<vmem>> -> memref<128xi32, #tpu.memory_space<vmem>>
      %dma_start3A_186 = arith.constant 0 : i32
      %dma_start3A_187 = arith.constant 0 : i32
      %dma_start3A_188 = tpu.memref_slice %arg2[%dma_start3A_186, %dma_start3A_187] : memref<28996x128xf32, #tpu.memory_space<hbm>> -> memref<28996x128xf32, #tpu.memory_space<hbm>>
      tpu.enqueue_indirect_dma source(%dma_start3A_188 : memref<28996x128xf32, #tpu.memory_space<hbm>>) target(%dma_start3A_182 : memref<128x128xf32, #tpu.memory_space<vmem>>) offsets(%dma_start3A_185 : memref<128xi32, #tpu.memory_space<vmem>>) semaphore(%arg10 : memref<!tpu.dma_semaphore, #tpu.memory_space<semaphore_mem>>)
      %mul3A_189 = arith.constant 2 : i32
      %mul3A_190 = arith.muli %add3A_170, %mul3A_189 : i32
      %add3A_191 = arith.constant 1 : i32
      %add3A_192 = arith.addi %mul3A_190, %add3A_191 : i32
      %dma_start3A_193 = arith.constant 128 : i32
      %dma_start3A_194 = arith.constant 0 : i32
      %dma_start3A_195 = tpu.memref_slice %arg7[%dma_start3A_193, %dma_start3A_194] : memref<256x128xf32, #tpu.memory_space<vmem>> -> memref<128x128xf32, #tpu.memory_space<vmem>>
      %dma_start3A_196 = arith.constant 0 : i32
      %dma_start3A_197 = tpu.memref_slice %arg5[%add3A_192, %dma_start3A_196] : memref<200x128xi32, #tpu.memory_space<vmem>> -> memref<1x128xi32, #tpu.memory_space<vmem>>
      %dma_start3A_198 = tpu.memref_squeeze %dma_start3A_197 : memref<1x128xi32, #tpu.memory_space<vmem>> -> memref<128xi32, #tpu.memory_space<vmem>>
      %dma_start3A_199 = arith.constant 0 : i32
      %dma_start3A_200 = arith.constant 0 : i32
      %dma_start3A_201 = tpu.memref_slice %arg2[%dma_start3A_199, %dma_start3A_200] : memref<28996x128xf32, #tpu.memory_space<hbm>> -> memref<28996x128xf32, #tpu.memory_space<hbm>>
      tpu.enqueue_indirect_dma source(%dma_start3A_201 : memref<28996x128xf32, #tpu.memory_space<hbm>>) target(%dma_start3A_195 : memref<128x128xf32, #tpu.memory_space<vmem>>) offsets(%dma_start3A_198 : memref<128xi32, #tpu.memory_space<vmem>>) semaphore(%arg10 : memref<!tpu.dma_semaphore, #tpu.memory_space<semaphore_mem>>)
      %sub3A_202 = arith.constant 2 : i32
      %sub3A_203 = arith.subi %add3A_170, %sub3A_202 : i32
      %gt3A_204 = arith.constant 0 : i32
      %gt3A_205 = arith.cmpi sgt, %scan3A_129, %gt3A_204 : i32
      %convert_element_type3A_206 = arith.extui %gt3A_205 : i1 to i32
      %cond3A_207 = arith.constant 0 : i32
      %cond3A_208 = arith.cmpi ne, %convert_element_type3A_206, %cond3A_207 : i32
      scf.if %cond3A_208 {
        %mul3A_278 = arith.constant 2 : i32
        %mul3A_279 = arith.muli %sub3A_203, %mul3A_278 : i32
        %add3A_280 = arith.constant 0 : i32
        %add3A_281 = arith.addi %mul3A_279, %add3A_280 : i32
        %dma_wait3A_282 = arith.constant 0 : i32
        %dma_wait3A_283 = arith.constant 0 : i32
        %dma_wait3A_284 = tpu.memref_slice %arg8[%dma_wait3A_282, %dma_wait3A_283] : memref<256x128xf32, #tpu.memory_space<vmem>> -> memref<128x128xf32, #tpu.memory_space<vmem>>
        %dma_wait3A_285 = arith.constant 0 : i32
        %dma_wait3A_286 = tpu.memref_slice %arg5[%add3A_281, %dma_wait3A_285] : memref<200x128xi32, #tpu.memory_space<vmem>> -> memref<1x128xi32, #tpu.memory_space<vmem>>
        %dma_wait3A_287 = tpu.memref_squeeze %dma_wait3A_286 : memref<1x128xi32, #tpu.memory_space<vmem>> -> memref<128xi32, #tpu.memory_space<vmem>>
        %dma_wait3A_288 = arith.constant 0 : i32
        %dma_wait3A_289 = arith.constant 0 : i32
        %dma_wait3A_290 = tpu.memref_slice %arg2[%dma_wait3A_288, %dma_wait3A_289] : memref<28996x128xf32, #tpu.memory_space<hbm>> -> memref<28996x128xf32, #tpu.memory_space<hbm>>
        tpu.wait_indirect_dma semaphore(%arg11 : memref<!tpu.dma_semaphore, #tpu.memory_space<semaphore_mem>>) src(%dma_wait3A_290 : memref<28996x128xf32, #tpu.memory_space<hbm>>) dst(%dma_wait3A_284 : memref<128x128xf32, #tpu.memory_space<vmem>>)
        %mul3A_291 = arith.constant 2 : i32
        %mul3A_292 = arith.muli %sub3A_203, %mul3A_291 : i32
        %add3A_293 = arith.constant 1 : i32
        %add3A_294 = arith.addi %mul3A_292, %add3A_293 : i32
        %dma_wait3A_295 = arith.constant 128 : i32
        %dma_wait3A_296 = arith.constant 0 : i32
        %dma_wait3A_297 = tpu.memref_slice %arg8[%dma_wait3A_295, %dma_wait3A_296] : memref<256x128xf32, #tpu.memory_space<vmem>> -> memref<128x128xf32, #tpu.memory_space<vmem>>
        %dma_wait3A_298 = arith.constant 0 : i32
        %dma_wait3A_299 = tpu.memref_slice %arg5[%add3A_294, %dma_wait3A_298] : memref<200x128xi32, #tpu.memory_space<vmem>> -> memref<1x128xi32, #tpu.memory_space<vmem>>
        %dma_wait3A_300 = tpu.memref_squeeze %dma_wait3A_299 : memref<1x128xi32, #tpu.memory_space<vmem>> -> memref<128xi32, #tpu.memory_space<vmem>>
        %dma_wait3A_301 = arith.constant 0 : i32
        %dma_wait3A_302 = arith.constant 0 : i32
        %dma_wait3A_303 = tpu.memref_slice %arg2[%dma_wait3A_301, %dma_wait3A_302] : memref<28996x128xf32, #tpu.memory_space<hbm>> -> memref<28996x128xf32, #tpu.memory_space<hbm>>
        tpu.wait_indirect_dma semaphore(%arg11 : memref<!tpu.dma_semaphore, #tpu.memory_space<semaphore_mem>>) src(%dma_wait3A_303 : memref<28996x128xf32, #tpu.memory_space<hbm>>) dst(%dma_wait3A_297 : memref<128x128xf32, #tpu.memory_space<vmem>>)
        %mul3A_304 = arith.constant 256 : i32
        %mul3A_305 = arith.muli %sub3A_203, %mul3A_304 : i32
        %add3A_306 = arith.addi %mul3A_2, %mul3A_305 : i32
        %dma_start3A_307 = arith.constant 0 : i32
        %dma_start3A_308 = tpu.memref_slice %arg4[%add3A_306, %dma_start3A_307] : memref<819200x128xf32, #tpu.memory_space<hbm>> -> memref<256x128xf32, #tpu.memory_space<hbm>>
        %dma_start3A_309 = arith.constant 0 : i32
        %dma_start3A_310 = tpu.memref_slice %arg4[%add3A_306, %dma_start3A_309] : memref<819200x128xf32, #tpu.memory_space<hbm>> -> memref<256x128xf32, #tpu.memory_space<hbm>>
        tpu.enqueue_dma source(%arg8 : memref<256x128xf32, #tpu.memory_space<vmem>>) target(%dma_start3A_310 : memref<256x128xf32, #tpu.memory_space<hbm>>) target_semaphore(%arg14 : memref<!tpu.dma_semaphore, #tpu.memory_space<semaphore_mem>>)
      } else {
      }
      %add3A_209 = arith.constant 2 : i32
      %add3A_210 = arith.addi %mul3A_132, %add3A_209 : i32
      %gt3A_211 = arith.constant 0 : i32
      %gt3A_212 = arith.cmpi sgt, %scan3A_129, %gt3A_211 : i32
      %convert_element_type3A_213 = arith.extui %gt3A_212 : i1 to i32
      %cond3A_214 = arith.constant 0 : i32
      %cond3A_215 = arith.cmpi ne, %convert_element_type3A_213, %cond3A_214 : i32
      scf.if %cond3A_215 {
        %sub3A_278 = arith.constant 3 : i32
        %sub3A_279 = arith.subi %add3A_210, %sub3A_278 : i32
        %mul3A_280 = arith.constant 256 : i32
        %mul3A_281 = arith.muli %sub3A_279, %mul3A_280 : i32
        %add3A_282 = arith.addi %mul3A_2, %mul3A_281 : i32
        %dma_wait3A_283 = arith.constant 0 : i32
        %dma_wait3A_284 = tpu.memref_slice %arg4[%add3A_282, %dma_wait3A_283] : memref<819200x128xf32, #tpu.memory_space<hbm>> -> memref<256x128xf32, #tpu.memory_space<hbm>>
        %dma_wait3A_285 = arith.constant 0 : i32
        %dma_wait3A_286 = tpu.memref_slice %arg4[%add3A_282, %dma_wait3A_285] : memref<819200x128xf32, #tpu.memory_space<hbm>> -> memref<256x128xf32, #tpu.memory_space<hbm>>
        tpu.wait_dma2 semaphore(%arg14 : memref<!tpu.dma_semaphore, #tpu.memory_space<semaphore_mem>>) src(%arg8 : memref<256x128xf32, #tpu.memory_space<vmem>>) dst(%dma_wait3A_286 : memref<256x128xf32, #tpu.memory_space<hbm>>)
      } else {
      }
      %mul3A_216 = arith.constant 2 : i32
      %mul3A_217 = arith.muli %add3A_210, %mul3A_216 : i32
      %add3A_218 = arith.constant 0 : i32
      %add3A_219 = arith.addi %mul3A_217, %add3A_218 : i32
      %dma_start3A_220 = arith.constant 0 : i32
      %dma_start3A_221 = arith.constant 0 : i32
      %dma_start3A_222 = tpu.memref_slice %arg8[%dma_start3A_220, %dma_start3A_221] : memref<256x128xf32, #tpu.memory_space<vmem>> -> memref<128x128xf32, #tpu.memory_space<vmem>>
      %dma_start3A_223 = arith.constant 0 : i32
      %dma_start3A_224 = tpu.memref_slice %arg5[%add3A_219, %dma_start3A_223] : memref<200x128xi32, #tpu.memory_space<vmem>> -> memref<1x128xi32, #tpu.memory_space<vmem>>
      %dma_start3A_225 = tpu.memref_squeeze %dma_start3A_224 : memref<1x128xi32, #tpu.memory_space<vmem>> -> memref<128xi32, #tpu.memory_space<vmem>>
      %dma_start3A_226 = arith.constant 0 : i32
      %dma_start3A_227 = arith.constant 0 : i32
      %dma_start3A_228 = tpu.memref_slice %arg2[%dma_start3A_226, %dma_start3A_227] : memref<28996x128xf32, #tpu.memory_space<hbm>> -> memref<28996x128xf32, #tpu.memory_space<hbm>>
      tpu.enqueue_indirect_dma source(%dma_start3A_228 : memref<28996x128xf32, #tpu.memory_space<hbm>>) target(%dma_start3A_222 : memref<128x128xf32, #tpu.memory_space<vmem>>) offsets(%dma_start3A_225 : memref<128xi32, #tpu.memory_space<vmem>>) semaphore(%arg11 : memref<!tpu.dma_semaphore, #tpu.memory_space<semaphore_mem>>)
      %mul3A_229 = arith.constant 2 : i32
      %mul3A_230 = arith.muli %add3A_210, %mul3A_229 : i32
      %add3A_231 = arith.constant 1 : i32
      %add3A_232 = arith.addi %mul3A_230, %add3A_231 : i32
      %dma_start3A_233 = arith.constant 128 : i32
      %dma_start3A_234 = arith.constant 0 : i32
      %dma_start3A_235 = tpu.memref_slice %arg8[%dma_start3A_233, %dma_start3A_234] : memref<256x128xf32, #tpu.memory_space<vmem>> -> memref<128x128xf32, #tpu.memory_space<vmem>>
      %dma_start3A_236 = arith.constant 0 : i32
      %dma_start3A_237 = tpu.memref_slice %arg5[%add3A_232, %dma_start3A_236] : memref<200x128xi32, #tpu.memory_space<vmem>> -> memref<1x128xi32, #tpu.memory_space<vmem>>
      %dma_start3A_238 = tpu.memref_squeeze %dma_start3A_237 : memref<1x128xi32, #tpu.memory_space<vmem>> -> memref<128xi32, #tpu.memory_space<vmem>>
      %dma_start3A_239 = arith.constant 0 : i32
      %dma_start3A_240 = arith.constant 0 : i32
      %dma_start3A_241 = tpu.memref_slice %arg2[%dma_start3A_239, %dma_start3A_240] : memref<28996x128xf32, #tpu.memory_space<hbm>> -> memref<28996x128xf32, #tpu.memory_space<hbm>>
      tpu.enqueue_indirect_dma source(%dma_start3A_241 : memref<28996x128xf32, #tpu.memory_space<hbm>>) target(%dma_start3A_235 : memref<128x128xf32, #tpu.memory_space<vmem>>) offsets(%dma_start3A_238 : memref<128xi32, #tpu.memory_space<vmem>>) semaphore(%arg11 : memref<!tpu.dma_semaphore, #tpu.memory_space<semaphore_mem>>)
      %sub3A_242 = arith.constant 2 : i32
      %sub3A_243 = arith.subi %add3A_210, %sub3A_242 : i32
      %mul3A_244 = arith.constant 2 : i32
      %mul3A_245 = arith.muli %sub3A_243, %mul3A_244 : i32
      %add3A_246 = arith.constant 0 : i32
      %add3A_247 = arith.addi %mul3A_245, %add3A_246 : i32
      %dma_wait3A_248 = arith.constant 0 : i32
      %dma_wait3A_249 = arith.constant 0 : i32
      %dma_wait3A_250 = tpu.memref_slice %arg6[%dma_wait3A_248, %dma_wait3A_249] : memref<256x128xf32, #tpu.memory_space<vmem>> -> memref<128x128xf32, #tpu.memory_space<vmem>>
      %dma_wait3A_251 = arith.constant 0 : i32
      %dma_wait3A_252 = tpu.memref_slice %arg5[%add3A_247, %dma_wait3A_251] : memref<200x128xi32, #tpu.memory_space<vmem>> -> memref<1x128xi32, #tpu.memory_space<vmem>>
      %dma_wait3A_253 = tpu.memref_squeeze %dma_wait3A_252 : memref<1x128xi32, #tpu.memory_space<vmem>> -> memref<128xi32, #tpu.memory_space<vmem>>
      %dma_wait3A_254 = arith.constant 0 : i32
      %dma_wait3A_255 = arith.constant 0 : i32
      %dma_wait3A_256 = tpu.memref_slice %arg2[%dma_wait3A_254, %dma_wait3A_255] : memref<28996x128xf32, #tpu.memory_space<hbm>> -> memref<28996x128xf32, #tpu.memory_space<hbm>>
      tpu.wait_indirect_dma semaphore(%arg9 : memref<!tpu.dma_semaphore, #tpu.memory_space<semaphore_mem>>) src(%dma_wait3A_256 : memref<28996x128xf32, #tpu.memory_space<hbm>>) dst(%dma_wait3A_250 : memref<128x128xf32, #tpu.memory_space<vmem>>)
      %mul3A_257 = arith.constant 2 : i32
      %mul3A_258 = arith.muli %sub3A_243, %mul3A_257 : i32
      %add3A_259 = arith.constant 1 : i32
      %add3A_260 = arith.addi %mul3A_258, %add3A_259 : i32
      %dma_wait3A_261 = arith.constant 128 : i32
      %dma_wait3A_262 = arith.constant 0 : i32
      %dma_wait3A_263 = tpu.memref_slice %arg6[%dma_wait3A_261, %dma_wait3A_262] : memref<256x128xf32, #tpu.memory_space<vmem>> -> memref<128x128xf32, #tpu.memory_space<vmem>>
      %dma_wait3A_264 = arith.constant 0 : i32
      %dma_wait3A_265 = tpu.memref_slice %arg5[%add3A_260, %dma_wait3A_264] : memref<200x128xi32, #tpu.memory_space<vmem>> -> memref<1x128xi32, #tpu.memory_space<vmem>>
      %dma_wait3A_266 = tpu.memref_squeeze %dma_wait3A_265 : memref<1x128xi32, #tpu.memory_space<vmem>> -> memref<128xi32, #tpu.memory_space<vmem>>
      %dma_wait3A_267 = arith.constant 0 : i32
      %dma_wait3A_268 = arith.constant 0 : i32
      %dma_wait3A_269 = tpu.memref_slice %arg2[%dma_wait3A_267, %dma_wait3A_268] : memref<28996x128xf32, #tpu.memory_space<hbm>> -> memref<28996x128xf32, #tpu.memory_space<hbm>>
      tpu.wait_indirect_dma semaphore(%arg9 : memref<!tpu.dma_semaphore, #tpu.memory_space<semaphore_mem>>) src(%dma_wait3A_269 : memref<28996x128xf32, #tpu.memory_space<hbm>>) dst(%dma_wait3A_263 : memref<128x128xf32, #tpu.memory_space<vmem>>)
      %mul3A_270 = arith.constant 256 : i32
      %mul3A_271 = arith.muli %sub3A_243, %mul3A_270 : i32
      %add3A_272 = arith.addi %mul3A_2, %mul3A_271 : i32
      %dma_start3A_273 = arith.constant 0 : i32
      %dma_start3A_274 = tpu.memref_slice %arg4[%add3A_272, %dma_start3A_273] : memref<819200x128xf32, #tpu.memory_space<hbm>> -> memref<256x128xf32, #tpu.memory_space<hbm>>
      %dma_start3A_275 = arith.constant 0 : i32
      %dma_start3A_276 = tpu.memref_slice %arg4[%add3A_272, %dma_start3A_275] : memref<819200x128xf32, #tpu.memory_space<hbm>> -> memref<256x128xf32, #tpu.memory_space<hbm>>
      tpu.enqueue_dma source(%arg6 : memref<256x128xf32, #tpu.memory_space<vmem>>) target(%dma_start3A_276 : memref<256x128xf32, #tpu.memory_space<hbm>>) target_semaphore(%arg12 : memref<!tpu.dma_semaphore, #tpu.memory_space<semaphore_mem>>)
      %scan3A_277 = arith.constant 0 : i32
      scf.yield %scan3A_277 : i32
    }
    %scan3A_8 = arith.constant 33 : i32
    %add3A_9 = arith.constant 24576 : i32
    %add3A_10 = arith.addi %mul3A_2, %add3A_9 : i32
    %dma_wait3A = arith.constant 0 : i32
    %dma_wait3A_11 = tpu.memref_slice %arg4[%add3A_10, %dma_wait3A] : memref<819200x128xf32, #tpu.memory_space<hbm>> -> memref<256x128xf32, #tpu.memory_space<hbm>>
    %dma_wait3A_12 = arith.constant 0 : i32
    %dma_wait3A_13 = tpu.memref_slice %arg4[%add3A_10, %dma_wait3A_12] : memref<819200x128xf32, #tpu.memory_space<hbm>> -> memref<256x128xf32, #tpu.memory_space<hbm>>
    tpu.wait_dma2 semaphore(%arg12 : memref<!tpu.dma_semaphore, #tpu.memory_space<semaphore_mem>>) src(%arg6 : memref<256x128xf32, #tpu.memory_space<vmem>>) dst(%dma_wait3A_13 : memref<256x128xf32, #tpu.memory_space<hbm>>)
    %dma_start3A = arith.constant 198 : i32
    %dma_start3A_14 = arith.constant 0 : i32
    %dma_start3A_15 = arith.constant 0 : i32
    %dma_start3A_16 = tpu.memref_slice %arg6[%dma_start3A_14, %dma_start3A_15] : memref<256x128xf32, #tpu.memory_space<vmem>> -> memref<128x128xf32, #tpu.memory_space<vmem>>
    %dma_start3A_17 = arith.constant 0 : i32
    %dma_start3A_18 = tpu.memref_slice %arg5[%dma_start3A, %dma_start3A_17] : memref<200x128xi32, #tpu.memory_space<vmem>> -> memref<1x128xi32, #tpu.memory_space<vmem>>
    %dma_start3A_19 = tpu.memref_squeeze %dma_start3A_18 : memref<1x128xi32, #tpu.memory_space<vmem>> -> memref<128xi32, #tpu.memory_space<vmem>>
    %dma_start3A_20 = arith.constant 0 : i32
    %dma_start3A_21 = arith.constant 0 : i32
    %dma_start3A_22 = tpu.memref_slice %arg2[%dma_start3A_20, %dma_start3A_21] : memref<28996x128xf32, #tpu.memory_space<hbm>> -> memref<28996x128xf32, #tpu.memory_space<hbm>>
    tpu.enqueue_indirect_dma source(%dma_start3A_22 : memref<28996x128xf32, #tpu.memory_space<hbm>>) target(%dma_start3A_16 : memref<128x128xf32, #tpu.memory_space<vmem>>) offsets(%dma_start3A_19 : memref<128xi32, #tpu.memory_space<vmem>>) semaphore(%arg9 : memref<!tpu.dma_semaphore, #tpu.memory_space<semaphore_mem>>)
    %dma_start3A_23 = arith.constant 199 : i32
    %dma_start3A_24 = arith.constant 128 : i32
    %dma_start3A_25 = arith.constant 0 : i32
    %dma_start3A_26 = tpu.memref_slice %arg6[%dma_start3A_24, %dma_start3A_25] : memref<256x128xf32, #tpu.memory_space<vmem>> -> memref<128x128xf32, #tpu.memory_space<vmem>>
    %dma_start3A_27 = arith.constant 0 : i32
    %dma_start3A_28 = tpu.memref_slice %arg5[%dma_start3A_23, %dma_start3A_27] : memref<200x128xi32, #tpu.memory_space<vmem>> -> memref<1x128xi32, #tpu.memory_space<vmem>>
    %dma_start3A_29 = tpu.memref_squeeze %dma_start3A_28 : memref<1x128xi32, #tpu.memory_space<vmem>> -> memref<128xi32, #tpu.memory_space<vmem>>
    %dma_start3A_30 = arith.constant 0 : i32
    %dma_start3A_31 = arith.constant 0 : i32
    %dma_start3A_32 = tpu.memref_slice %arg2[%dma_start3A_30, %dma_start3A_31] : memref<28996x128xf32, #tpu.memory_space<hbm>> -> memref<28996x128xf32, #tpu.memory_space<hbm>>
    tpu.enqueue_indirect_dma source(%dma_start3A_32 : memref<28996x128xf32, #tpu.memory_space<hbm>>) target(%dma_start3A_26 : memref<128x128xf32, #tpu.memory_space<vmem>>) offsets(%dma_start3A_29 : memref<128xi32, #tpu.memory_space<vmem>>) semaphore(%arg9 : memref<!tpu.dma_semaphore, #tpu.memory_space<semaphore_mem>>)
    %dma_wait3A_33 = arith.constant 194 : i32
    %dma_wait3A_34 = arith.constant 0 : i32
    %dma_wait3A_35 = arith.constant 0 : i32
    %dma_wait3A_36 = tpu.memref_slice %arg7[%dma_wait3A_34, %dma_wait3A_35] : memref<256x128xf32, #tpu.memory_space<vmem>> -> memref<128x128xf32, #tpu.memory_space<vmem>>
    %dma_wait3A_37 = arith.constant 0 : i32
    %dma_wait3A_38 = tpu.memref_slice %arg5[%dma_wait3A_33, %dma_wait3A_37] : memref<200x128xi32, #tpu.memory_space<vmem>> -> memref<1x128xi32, #tpu.memory_space<vmem>>
    %dma_wait3A_39 = tpu.memref_squeeze %dma_wait3A_38 : memref<1x128xi32, #tpu.memory_space<vmem>> -> memref<128xi32, #tpu.memory_space<vmem>>
    %dma_wait3A_40 = arith.constant 0 : i32
    %dma_wait3A_41 = arith.constant 0 : i32
    %dma_wait3A_42 = tpu.memref_slice %arg2[%dma_wait3A_40, %dma_wait3A_41] : memref<28996x128xf32, #tpu.memory_space<hbm>> -> memref<28996x128xf32, #tpu.memory_space<hbm>>
    tpu.wait_indirect_dma semaphore(%arg10 : memref<!tpu.dma_semaphore, #tpu.memory_space<semaphore_mem>>) src(%dma_wait3A_42 : memref<28996x128xf32, #tpu.memory_space<hbm>>) dst(%dma_wait3A_36 : memref<128x128xf32, #tpu.memory_space<vmem>>)
    %dma_wait3A_43 = arith.constant 195 : i32
    %dma_wait3A_44 = arith.constant 128 : i32
    %dma_wait3A_45 = arith.constant 0 : i32
    %dma_wait3A_46 = tpu.memref_slice %arg7[%dma_wait3A_44, %dma_wait3A_45] : memref<256x128xf32, #tpu.memory_space<vmem>> -> memref<128x128xf32, #tpu.memory_space<vmem>>
    %dma_wait3A_47 = arith.constant 0 : i32
    %dma_wait3A_48 = tpu.memref_slice %arg5[%dma_wait3A_43, %dma_wait3A_47] : memref<200x128xi32, #tpu.memory_space<vmem>> -> memref<1x128xi32, #tpu.memory_space<vmem>>
    %dma_wait3A_49 = tpu.memref_squeeze %dma_wait3A_48 : memref<1x128xi32, #tpu.memory_space<vmem>> -> memref<128xi32, #tpu.memory_space<vmem>>
    %dma_wait3A_50 = arith.constant 0 : i32
    %dma_wait3A_51 = arith.constant 0 : i32
    %dma_wait3A_52 = tpu.memref_slice %arg2[%dma_wait3A_50, %dma_wait3A_51] : memref<28996x128xf32, #tpu.memory_space<hbm>> -> memref<28996x128xf32, #tpu.memory_space<hbm>>
    tpu.wait_indirect_dma semaphore(%arg10 : memref<!tpu.dma_semaphore, #tpu.memory_space<semaphore_mem>>) src(%dma_wait3A_52 : memref<28996x128xf32, #tpu.memory_space<hbm>>) dst(%dma_wait3A_46 : memref<128x128xf32, #tpu.memory_space<vmem>>)
    %add3A_53 = arith.constant 24832 : i32
    %add3A_54 = arith.addi %mul3A_2, %add3A_53 : i32
    %dma_start3A_55 = arith.constant 0 : i32
    %dma_start3A_56 = tpu.memref_slice %arg4[%add3A_54, %dma_start3A_55] : memref<819200x128xf32, #tpu.memory_space<hbm>> -> memref<256x128xf32, #tpu.memory_space<hbm>>
    %dma_start3A_57 = arith.constant 0 : i32
    %dma_start3A_58 = tpu.memref_slice %arg4[%add3A_54, %dma_start3A_57] : memref<819200x128xf32, #tpu.memory_space<hbm>> -> memref<256x128xf32, #tpu.memory_space<hbm>>
    tpu.enqueue_dma source(%arg7 : memref<256x128xf32, #tpu.memory_space<vmem>>) target(%dma_start3A_58 : memref<256x128xf32, #tpu.memory_space<hbm>>) target_semaphore(%arg13 : memref<!tpu.dma_semaphore, #tpu.memory_space<semaphore_mem>>)
    %dma_wait3A_59 = arith.constant 196 : i32
    %dma_wait3A_60 = arith.constant 0 : i32
    %dma_wait3A_61 = arith.constant 0 : i32
    %dma_wait3A_62 = tpu.memref_slice %arg8[%dma_wait3A_60, %dma_wait3A_61] : memref<256x128xf32, #tpu.memory_space<vmem>> -> memref<128x128xf32, #tpu.memory_space<vmem>>
    %dma_wait3A_63 = arith.constant 0 : i32
    %dma_wait3A_64 = tpu.memref_slice %arg5[%dma_wait3A_59, %dma_wait3A_63] : memref<200x128xi32, #tpu.memory_space<vmem>> -> memref<1x128xi32, #tpu.memory_space<vmem>>
    %dma_wait3A_65 = tpu.memref_squeeze %dma_wait3A_64 : memref<1x128xi32, #tpu.memory_space<vmem>> -> memref<128xi32, #tpu.memory_space<vmem>>
    %dma_wait3A_66 = arith.constant 0 : i32
    %dma_wait3A_67 = arith.constant 0 : i32
    %dma_wait3A_68 = tpu.memref_slice %arg2[%dma_wait3A_66, %dma_wait3A_67] : memref<28996x128xf32, #tpu.memory_space<hbm>> -> memref<28996x128xf32, #tpu.memory_space<hbm>>
    tpu.wait_indirect_dma semaphore(%arg11 : memref<!tpu.dma_semaphore, #tpu.memory_space<semaphore_mem>>) src(%dma_wait3A_68 : memref<28996x128xf32, #tpu.memory_space<hbm>>) dst(%dma_wait3A_62 : memref<128x128xf32, #tpu.memory_space<vmem>>)
    %dma_wait3A_69 = arith.constant 197 : i32
    %dma_wait3A_70 = arith.constant 128 : i32
    %dma_wait3A_71 = arith.constant 0 : i32
    %dma_wait3A_72 = tpu.memref_slice %arg8[%dma_wait3A_70, %dma_wait3A_71] : memref<256x128xf32, #tpu.memory_space<vmem>> -> memref<128x128xf32, #tpu.memory_space<vmem>>
    %dma_wait3A_73 = arith.constant 0 : i32
    %dma_wait3A_74 = tpu.memref_slice %arg5[%dma_wait3A_69, %dma_wait3A_73] : memref<200x128xi32, #tpu.memory_space<vmem>> -> memref<1x128xi32, #tpu.memory_space<vmem>>
    %dma_wait3A_75 = tpu.memref_squeeze %dma_wait3A_74 : memref<1x128xi32, #tpu.memory_space<vmem>> -> memref<128xi32, #tpu.memory_space<vmem>>
    %dma_wait3A_76 = arith.constant 0 : i32
    %dma_wait3A_77 = arith.constant 0 : i32
    %dma_wait3A_78 = tpu.memref_slice %arg2[%dma_wait3A_76, %dma_wait3A_77] : memref<28996x128xf32, #tpu.memory_space<hbm>> -> memref<28996x128xf32, #tpu.memory_space<hbm>>
    tpu.wait_indirect_dma semaphore(%arg11 : memref<!tpu.dma_semaphore, #tpu.memory_space<semaphore_mem>>) src(%dma_wait3A_78 : memref<28996x128xf32, #tpu.memory_space<hbm>>) dst(%dma_wait3A_72 : memref<128x128xf32, #tpu.memory_space<vmem>>)
    %add3A_79 = arith.constant 25088 : i32
    %add3A_80 = arith.addi %mul3A_2, %add3A_79 : i32
    %dma_start3A_81 = arith.constant 0 : i32
    %dma_start3A_82 = tpu.memref_slice %arg4[%add3A_80, %dma_start3A_81] : memref<819200x128xf32, #tpu.memory_space<hbm>> -> memref<256x128xf32, #tpu.memory_space<hbm>>
    %dma_start3A_83 = arith.constant 0 : i32
    %dma_start3A_84 = tpu.memref_slice %arg4[%add3A_80, %dma_start3A_83] : memref<819200x128xf32, #tpu.memory_space<hbm>> -> memref<256x128xf32, #tpu.memory_space<hbm>>
    tpu.enqueue_dma source(%arg8 : memref<256x128xf32, #tpu.memory_space<vmem>>) target(%dma_start3A_84 : memref<256x128xf32, #tpu.memory_space<hbm>>) target_semaphore(%arg14 : memref<!tpu.dma_semaphore, #tpu.memory_space<semaphore_mem>>)
    %dma_wait3A_85 = arith.constant 198 : i32
    %dma_wait3A_86 = arith.constant 0 : i32
    %dma_wait3A_87 = arith.constant 0 : i32
    %dma_wait3A_88 = tpu.memref_slice %arg6[%dma_wait3A_86, %dma_wait3A_87] : memref<256x128xf32, #tpu.memory_space<vmem>> -> memref<128x128xf32, #tpu.memory_space<vmem>>
    %dma_wait3A_89 = arith.constant 0 : i32
    %dma_wait3A_90 = tpu.memref_slice %arg5[%dma_wait3A_85, %dma_wait3A_89] : memref<200x128xi32, #tpu.memory_space<vmem>> -> memref<1x128xi32, #tpu.memory_space<vmem>>
    %dma_wait3A_91 = tpu.memref_squeeze %dma_wait3A_90 : memref<1x128xi32, #tpu.memory_space<vmem>> -> memref<128xi32, #tpu.memory_space<vmem>>
    %dma_wait3A_92 = arith.constant 0 : i32
    %dma_wait3A_93 = arith.constant 0 : i32
    %dma_wait3A_94 = tpu.memref_slice %arg2[%dma_wait3A_92, %dma_wait3A_93] : memref<28996x128xf32, #tpu.memory_space<hbm>> -> memref<28996x128xf32, #tpu.memory_space<hbm>>
    tpu.wait_indirect_dma semaphore(%arg9 : memref<!tpu.dma_semaphore, #tpu.memory_space<semaphore_mem>>) src(%dma_wait3A_94 : memref<28996x128xf32, #tpu.memory_space<hbm>>) dst(%dma_wait3A_88 : memref<128x128xf32, #tpu.memory_space<vmem>>)
    %dma_wait3A_95 = arith.constant 199 : i32
    %dma_wait3A_96 = arith.constant 128 : i32
    %dma_wait3A_97 = arith.constant 0 : i32
    %dma_wait3A_98 = tpu.memref_slice %arg6[%dma_wait3A_96, %dma_wait3A_97] : memref<256x128xf32, #tpu.memory_space<vmem>> -> memref<128x128xf32, #tpu.memory_space<vmem>>
    %dma_wait3A_99 = arith.constant 0 : i32
    %dma_wait3A_100 = tpu.memref_slice %arg5[%dma_wait3A_95, %dma_wait3A_99] : memref<200x128xi32, #tpu.memory_space<vmem>> -> memref<1x128xi32, #tpu.memory_space<vmem>>
    %dma_wait3A_101 = tpu.memref_squeeze %dma_wait3A_100 : memref<1x128xi32, #tpu.memory_space<vmem>> -> memref<128xi32, #tpu.memory_space<vmem>>
    %dma_wait3A_102 = arith.constant 0 : i32
    %dma_wait3A_103 = arith.constant 0 : i32
    %dma_wait3A_104 = tpu.memref_slice %arg2[%dma_wait3A_102, %dma_wait3A_103] : memref<28996x128xf32, #tpu.memory_space<hbm>> -> memref<28996x128xf32, #tpu.memory_space<hbm>>
    tpu.wait_indirect_dma semaphore(%arg9 : memref<!tpu.dma_semaphore, #tpu.memory_space<semaphore_mem>>) src(%dma_wait3A_104 : memref<28996x128xf32, #tpu.memory_space<hbm>>) dst(%dma_wait3A_98 : memref<128x128xf32, #tpu.memory_space<vmem>>)
    %add3A_105 = arith.constant 25344 : i32
    %add3A_106 = arith.addi %mul3A_2, %add3A_105 : i32
    %dma_start3A_107 = arith.constant 0 : i32
    %dma_start3A_108 = tpu.memref_slice %arg4[%add3A_106, %dma_start3A_107] : memref<819200x128xf32, #tpu.memory_space<hbm>> -> memref<256x128xf32, #tpu.memory_space<hbm>>
    %dma_start3A_109 = arith.constant 0 : i32
    %dma_start3A_110 = tpu.memref_slice %arg4[%add3A_106, %dma_start3A_109] : memref<819200x128xf32, #tpu.memory_space<hbm>> -> memref<256x128xf32, #tpu.memory_space<hbm>>
    tpu.enqueue_dma source(%arg6 : memref<256x128xf32, #tpu.memory_space<vmem>>) target(%dma_start3A_110 : memref<256x128xf32, #tpu.memory_space<hbm>>) target_semaphore(%arg12 : memref<!tpu.dma_semaphore, #tpu.memory_space<semaphore_mem>>)
    %add3A_111 = arith.constant 24832 : i32
    %add3A_112 = arith.addi %mul3A_2, %add3A_111 : i32
    %dma_wait3A_113 = arith.constant 0 : i32
    %dma_wait3A_114 = tpu.memref_slice %arg4[%add3A_112, %dma_wait3A_113] : memref<819200x128xf32, #tpu.memory_space<hbm>> -> memref<256x128xf32, #tpu.memory_space<hbm>>
    %dma_wait3A_115 = arith.constant 0 : i32
    %dma_wait3A_116 = tpu.memref_slice %arg4[%add3A_112, %dma_wait3A_115] : memref<819200x128xf32, #tpu.memory_space<hbm>> -> memref<256x128xf32, #tpu.memory_space<hbm>>
    tpu.wait_dma2 semaphore(%arg13 : memref<!tpu.dma_semaphore, #tpu.memory_space<semaphore_mem>>) src(%arg7 : memref<256x128xf32, #tpu.memory_space<vmem>>) dst(%dma_wait3A_116 : memref<256x128xf32, #tpu.memory_space<hbm>>)
    %add3A_117 = arith.constant 25088 : i32
    %add3A_118 = arith.addi %mul3A_2, %add3A_117 : i32
    %dma_wait3A_119 = arith.constant 0 : i32
    %dma_wait3A_120 = tpu.memref_slice %arg4[%add3A_118, %dma_wait3A_119] : memref<819200x128xf32, #tpu.memory_space<hbm>> -> memref<256x128xf32, #tpu.memory_space<hbm>>
    %dma_wait3A_121 = arith.constant 0 : i32
    %dma_wait3A_122 = tpu.memref_slice %arg4[%add3A_118, %dma_wait3A_121] : memref<819200x128xf32, #tpu.memory_space<hbm>> -> memref<256x128xf32, #tpu.memory_space<hbm>>
    tpu.wait_dma2 semaphore(%arg14 : memref<!tpu.dma_semaphore, #tpu.memory_space<semaphore_mem>>) src(%arg8 : memref<256x128xf32, #tpu.memory_space<vmem>>) dst(%dma_wait3A_122 : memref<256x128xf32, #tpu.memory_space<hbm>>)
    %add3A_123 = arith.constant 25344 : i32
    %add3A_124 = arith.addi %mul3A_2, %add3A_123 : i32
    %dma_wait3A_125 = arith.constant 0 : i32
    %dma_wait3A_126 = tpu.memref_slice %arg4[%add3A_124, %dma_wait3A_125] : memref<819200x128xf32, #tpu.memory_space<hbm>> -> memref<256x128xf32, #tpu.memory_space<hbm>>
    %dma_wait3A_127 = arith.constant 0 : i32
    %dma_wait3A_128 = tpu.memref_slice %arg4[%add3A_124, %dma_wait3A_127] : memref<819200x128xf32, #tpu.memory_space<hbm>> -> memref<256x128xf32, #tpu.memory_space<hbm>>
    tpu.wait_dma2 semaphore(%arg12 : memref<!tpu.dma_semaphore, #tpu.memory_space<semaphore_mem>>) src(%arg6 : memref<256x128xf32, #tpu.memory_space<vmem>>) dst(%dma_wait3A_128 : memref<256x128xf32, #tpu.memory_space<hbm>>)
    return
  }
}

</mosaic_0001>

<sc_bundles>
// kernel: kernel.3.cloned.1.call-start
scs
__scs_entry_jumppad:
0x0: {  	(pc) =	sbr.rel $0x88, $3  }
0x1: {  	(tag) =	ssettag $0x0;
	lr =	simm.s32 $0x1  }
0x2: {  	[smem:$0x3F9F] =	sst lr;
	_ =	strace $0xD0000000  }
0x3: {  	_ = 	snop  }
0x4: {  	_ = 	snop  }
0x5: {  	_ = 	snop  }
0x6: {  	_ = 	snop  }
0x7: {  	_ = 	snop  }
__scs_overlays_trampoline_lowered:
0x8: {  	[smem:$0x3FAE] =	sst s0  }
0x9: {  	[smem:$0x3FAF] =	sst s1  }
0xa: {  	[smem:$0x3FB0] =	sst s2  }
0xb: {  	[smem:$0x3FB1] =	sst s3  }
0xc: {  	[smem:$0x3FB2] =	sst s4  }
0xd: {  	[smem:$0x3FB3] =	sst s5  }
0xe: {  	[smem:$0x3FB4] =	sst s6  }
0xf: {  	[smem:$0x3FB5] =	sst s7  }
0x10: {  	[smem:$0x3FB6] =	sst s8  }
0x11: {  	[smem:$0x3FB7] =	sst s9;
	s0 =	simm.s32 @!p0 $0x0  }
0x12: {  	s1 =	sld [smem:$0x3F9D];
	s0 =	simm.s32 @p0 $0x1  }
0x13: {  	[smem:$0x3FB8] =	sst s0;
	s0 =	simm.s32 @!p1 $0x0  }
0x14: {  	s2 =	sld [smem:$0x3F9C];
	s0 =	simm.s32 @p1 $0x1  }
0x15: {  	[smem:$0x3FB9] =	sst s0;
	s0 =	simm.s32 @!p2 $0x0  }
0x16: {  	s3 =	sld [smem:$0x3FDB];
	s0 =	simm.s32 @p2 $0x1  }
0x17: {  	s4 =	simm.s32 $0x1BF5;
	[smem:$0x3FBB] =	sst s0  }
0x18: {  	s0 =	sld [smem:$0x3F9E];
	_ =	swait.ge [sflag:s4], $0x0  }
0x19: {  	s7 =	sld [smem:$0x3F9F]  }
0x1a: {  	s8 =	sadd.s32 $0xFFFFE003, lr  }
0x1b: {  	s9 =	sadd.s32 $0xFFFFFEF7, lr;
	s5 =	simm.s32 $0xFFFFFFFF;
	p2 =	slt.u32 s8, $0xFFFFF086  }
0x1c: {  	p1 =	slt.u32 s9, $0xF7A;
	s5 =	simm.s32 @!p2 $0x0  }
0x1d: {  	s5 =	simm.s32 @p1 $0x1;
	p0 =	seq.s32 s7, s2  }
0x1e: {  	s7 =	smul.u32 @!p0 $0xF7A, s2;
	p2 =	seq.s32 @!p0 s5, $0x0  }
0x1f: {  	s9 =	smul.u32 $0xF7A, s1;
	s8 =	simm.s32 @!p0 $0x1BF5;
	p2 =	por !p2, p0  }
0x20: {  	[sflag:s8] =	ssyncset.s32 @!p0 $0xFFFFF086;
	s6 =	sadd.s32 @!p0 s3, s7;
	s7 =	simm.s32 @!p0 $0x108  }
0x21: {  	s3 =	sadd.s32 s3, s9;
	s6 =	sadd.s32 @!p0 $0x88, s6;
	s7 =	simm.s32 @p2 $0x1082  }
0x22: {  	[simem:s7], [sflag:s8] =	dma.local @!p0 [hbm:s6], $0xF7A  }
0x23: {  	s9 =	sor.u32 $0xD0000000, s2;
	s6 =	simm.s32 $0x108;
	_ =	swait.ge @!p0 [sflag:s8], $0x0  }
0x24: {  	s3 =	sadd.s32 $0x88, s3;
	s6 =	simm.s32 @!p1 $0x1082;
	[sflag:s4] =	ssyncset.s32 $0xFFFFF086  }
0x25: {  	[simem:s6], [sflag:s4] =	dma.local [hbm:s3], $0xF7A  }
0x26: {  	[smem:$0x3F9F] =	sst s1;
	(tag) =	ssettag s2;
	_ =	strace s9  }
0x27: {  	s1 =	sld [smem:$0x3FAF]  }
0x28: {  	s2 =	sld [smem:$0x3FB0]  }
0x29: {  	s4 =	sld [smem:$0x3FB2]  }
0x2a: {  	p0 =	seq.s32 s5, $0x0;
	s5 =	sld [smem:$0x3FB3]  }
0x2b: {  	s6 =	sld [smem:$0x3FB4]  }
0x2c: {  	s7 =	sld [smem:$0x3FB5]  }
0x2d: {  	s3 =	simm.s32 $0x108;
	s8 =	sld [smem:$0x3FB6]  }
0x2e: {  	s3 =	simm.s32 @!p0 $0x1082;
	s9 =	sld [smem:$0x3FB7]  }
0x2f: {  	lr =	sadd.s32 s0, s3;
	s0 =	sld [smem:$0x3FAE]  }
0x30: {  	s3 =	sld [smem:$0x3FB1]  }
0x31: {  	[smem:$0x3FBA] =	sst s10  }
0x32: {  	s10 =	sld [smem:$0x3FB8];
	_ =	sdelay $0x3  }
0x33: {  	p0 =	seq.s32 s10, $0x1;
	s10 =	sld [smem:$0x3FBA];
	_ =	sdelay $0x3  }
0x34: {  	[smem:$0x3FBA] =	sst s10  }
0x35: {  	s10 =	sld [smem:$0x3FB9];
	_ =	sdelay $0x3  }
0x36: {  	p1 =	seq.s32 s10, $0x1;
	s10 =	sld [smem:$0x3FBA];
	_ =	sdelay $0x3  }
0x37: {  	[smem:$0x3FBA] =	sst s10  }
0x38: {  	s10 =	sld [smem:$0x3FBB]  }
0x39: {  	_ = 	snop;
	(pc) =	sbr.ind lr, $3  }
0x3a: {  	_ = 	snop  }
0x3b: {  	_ = 	snop  }
0x3c: {  	p2 =	seq.s32 s10, $0x1;
	s10 =	sld [smem:$0x3FBA]  }
0x3d: {  	_ =	shalt  }
0x3e: {  	_ =	shalt  }
0x3f: {  	_ =	shalt  }
0x40: {  	_ =	shalt  }
0x41: {  	_ =	shalt  }
0x42: {  	_ =	shalt  }
0x43: {  	_ =	shalt  }
0x44: {  	_ =	shalt  }
0x45: {  	_ =	shalt  }
0x46: {  	_ =	shalt  }
0x47: {  	_ =	shalt  }
0x48: {  	_ =	shalt  }
0x49: {  	_ =	shalt  }
0x4a: {  	_ =	shalt  }
0x4b: {  	_ =	shalt  }
0x4c: {  	_ =	shalt  }
0x4d: {  	_ =	shalt  }
0x4e: {  	_ =	shalt  }
0x4f: {  	_ =	shalt  }
0x50: {  	_ =	shalt  }
0x51: {  	_ =	shalt  }
0x52: {  	_ =	shalt  }
0x53: {  	_ =	shalt  }
0x54: {  	_ =	shalt  }
0x55: {  	_ =	shalt  }
0x56: {  	_ =	shalt  }
0x57: {  	_ =	shalt  }
0x58: {  	_ =	shalt  }
0x59: {  	_ =	shalt  }
0x5a: {  	_ =	shalt  }
0x5b: {  	_ =	shalt  }
0x5c: {  	_ =	shalt  }
0x5d: {  	_ =	shalt  }
0x5e: {  	_ =	shalt  }
0x5f: {  	_ =	shalt  }
0x60: {  	_ =	shalt  }
0x61: {  	_ =	shalt  }
0x62: {  	_ =	shalt  }
0x63: {  	_ =	shalt  }
0x64: {  	_ =	shalt  }
0x65: {  	_ =	shalt  }
0x66: {  	_ =	shalt  }
0x67: {  	_ =	shalt  }
0x68: {  	_ =	shalt  }
0x69: {  	_ =	shalt  }
0x6a: {  	_ =	shalt  }
0x6b: {  	_ =	shalt  }
0x6c: {  	_ =	shalt  }
0x6d: {  	_ =	shalt  }
0x6e: {  	_ =	shalt  }
0x6f: {  	_ =	shalt  }
0x70: {  	_ =	shalt  }
0x71: {  	_ =	shalt  }
0x72: {  	_ =	shalt  }
0x73: {  	_ =	shalt  }
0x74: {  	_ =	shalt  }
0x75: {  	_ =	shalt  }
0x76: {  	_ =	shalt  }
0x77: {  	_ =	shalt  }
0x78: {  	_ =	shalt  }
0x79: {  	_ =	shalt  }
0x7a: {  	_ =	shalt  }
0x7b: {  	_ =	shalt  }
0x7c: {  	_ =	shalt  }
0x7d: {  	_ =	shalt  }
0x7e: {  	_ =	shalt  }
0x7f: {  	_ =	shalt  }
0x80: {  	_ =	shalt  }
0x81: {  	_ =	shalt  }
0x82: {  	_ =	shalt  }
0x83: {  	_ =	shalt  }
0x84: {  	_ =	shalt  }
0x85: {  	_ =	shalt  }
0x86: {  	_ =	shalt  }
0x87: {  	_ =	shalt  }
.Lfunc_end0:
.L_simem_size_0:
called_computation_lowered:
.L_overlay_start_0:
0x88: {  	s2 =	sld [smem:$0x3FD9]  }
0x89: {  	s3 =	sld [smem:$0x3FFE];
	_ =	sdelay $0x1  }
0x8a: {  	s1 =	srdreg.scid  }
0x8b: {  	s0 =	sand.u32 $0x1, s1  }
0x8c: {  	s17 =	sshll.u32 s0, $0xA;
	s2 =	sadd.s32 s3, s2  }
0x8d: {  	s2 =	sadd.s32 s2, s17  }
0x8e: {  	[smem:$0x3FC6] =	sst s2  }
0x8f: {  	_ = 	snop  }
0x90: {  	s2 =	sld [smem:$0x3FC8]  }
0x91: {  	s18 =	sld [smem:$0x3FD0];
	(tm) =	ssettm $0x1  }
0x92: {  	s4 =	sld [smem:$0x3FFB];
	_ =	sdelay $0x3  }
0x93: {  	_ =	strace s4  }
0x94: {  	s4 =	sld [smem:$0x3FFC];
	_ =	sdelay $0x3  }
0x95: {  	_ =	strace s4  }
0x96: {  	s4 =	sld [smem:$0x3FFD];
	_ =	sdelay $0x3  }
0x97: {  	_ =	strace s4  }
0x98: {  	_ =	strace $0x8FFFFFFF  }
0x99: {  	s19 =	sld [smem:$0x3FDB];
	_ =	sdelay $0x1  }
0x9a: {  	s5 =	simm.s32 $_scs_section_size  }
0x9b: {  	s6 =	simm.s32 $_size__tile_overlayer_lowered;
	s7 =	simm.s32 $_tile_overlayer_lowered  }
0x9c: {  	s22 =	simm.s32 $0x1BFF;
	s21 =	sshll.u32 s7, $0x1;
	s4 =	sadd.s32 s5, s19  }
0x9d: {  	s8 =	simm.s32 $0x0;
	s20 =	sshll.u32 s6, $0x1;
	s6 =	sadd.s32 s21, s4  }
0x9e: {  	[timem:s8], [sflag:s22] =	dma.local [hbm:s6], s20  }
0x9f: {  	_ =	swait.ge [sflag:s22], s20  }
0xa0: {  	s5 =	ssub.s32 $0x0, s20;
	[sflag:s22] =	ssyncset.done $0x0  }
0xa1: {  	[sflag:s22] =	ssyncadd.s32 s5;
	_ =	sdelay $0x1  }
0xa2: {  	s23 =	simm.s32 $0x1B8B  }
0xa3: {  	_ =	swait.ge [sflag:s23], $0x1  }
0xa4: {  	[sflag:s23] =	ssyncset.done $0x0  }
0xa5: {  	s25 =	simm.s32 $0x1B8E;
	s24 =	sld [smem:$0x3FFE];
	[sflag:s23] =	ssyncadd.s32 $0xFFFFFFFF  }
0xa6: {  	s26 =	simm.s32 $execute0_lowered;
	[smem:$0x3FD2] =	sst s25  }
0xa7: {  	s6 =	sshll.u32 s26, $0x1;
	_ =	strace $0x80000046;
	[dreg:$0x1] =	wrdreg $0xFFFFFFFF  }
0xa8: {  	s28 =	simm.s32 $_size_execute0_lowered;
	s4 =	sadd.s32 s4, s6;
	[dreg:$0x0] =	wrdreg $0x0  }
0xa9: {  	s6 =	sshll.u32 s28, $0x1;
	[dreg:$0x2] =	wrdreg s4  }
0xaa: {  	[dreg:$0x3] =	wrdreg s6  }
0xab: {  	[dreg:$0x4] =	wrdreg $0xC0  }
0xac: {  	_ =	task [dreg:s8], $0x5FFFF  }
0xad: {  	[dreg:$0x1] =	wrdreg $0xFFFFFFFF  }
0xae: {  	[dreg:$0x0] =	wrdreg $0x60  }
0xaf: {  	[dreg:$0x2] =	wrdreg s2  }
0xb0: {  	[dreg:$0x3] =	wrdreg s24  }
0xb1: {  	[dreg:$0x4] =	wrdreg s18  }
0xb2: {  	[dreg:$0x5] =	wrdreg $0x9  }
0xb3: {  	_ =	task.clear_ibuf [dreg:s8], $0x6FFFF;
	_ =	strace $0x90000046  }
0xb4: {  	s29 =	simm.s32 $0x9;
	_ =	strace $0x80000048  }
0xb5: {  	_ =	swait.ge [sflag:s29], $0x1  }
0xb6: {  	[sflag:s29] =	ssyncadd.s32 $0xFFFFFFFF  }
0xb7: {  	_ =	strace $0x90000048  }
0xb8: {  	_ =	sfence  }
0xb9: {  	s30 =	sld [smem:$0x0];
	_ =	sdelay $0x2  }
0xba: {  	s31 =	sshll.u32 s1, $0xD;
	s1 =	sshrl.u32 s1, $0x2  }
0xbb: {  	s3 =	sand.u32 $0x4000, s31;
	s1 =	sadd.s32 s1, s30  }
0xbc: {  	s0 =	sor.u32 s3, s0;
	s1 =	sshll.u32 s1, $0x11  }
0xbd: {  	s0 =	sor.u32 s1, s0  }
0xbe: {  	s0 =	sadd.s32 $0x8F2B, s0  }
0xbf: {  	[sflag:s0] =	ssyncadd.remote.s32 $0x1  }
0xc0: {  	_ =	sfence.sel $0xFFFF  }
0xc1: {  	[dreg:$0x0] =	wrdreg $0xFFFFFFFF;
	(pc) =	sbr.abs _section_cstart, $3  }
0xc2: {  	[dreg:$0x1] =	wrdreg $0xFFFFFFFF  }
0xc3: {  	_ =	task.clear_ibuf [dreg:s8], $0x2FFFF;
	_ =	strace $0x9FFFFFFF  }
0xc4: {  	(tm) =	ssettm $0x7FFFFFFF  }
0xc5: {  	_ =	shalt  }
tec
execute0_lowered:
.L_overlay_start_1:
0x0: {  	(tag) =	ssettag $0x1  }
0x1: {  	s1 =	rddreg [dreg:$0x0];
	s0 =	srdreg.scid  }
0x2: {  	s10 =	stileid.u32;
	s2 =	rddreg [dreg:$0x1]  }
0x3: {  	s9 =	rddreg [dreg:$0x2];
	s12 =	simm.s32 $0x80;
	s13 =	simm.s32 $0x6400  }
0x4: {  	s14 =	simm.s32 $0xA400;
	s16 =	simm.s32 $0xE400;
	s18 =	simm.s32 $0x12400  }
0x5: {  	s20 =	simm.s32 $0x16400;
	s28 =	simm.s32 $0x3;
	s29 =	simm.s32 $0x6  }
0x6: {  	s0 =	sand.u32 $0x1, s0;
	s3 =	sshll.u32 s10, $0x1;
	s24 =	smul.u32 $0xC8000, s10  }
0x7: {  	s6 =	sor.u32 s0, s3;
	s5 =	ssub.s32 $0x2, s0;
	s0 =	smul.u32 $0x64000, s0  }
0x8: {  	s30 =	simm.s32 $0x6300;
	s3 =	simm.s32 $0x0;
	s4 =	smul.u32 $0x6400, s6  }
0x9: {  	s31 =	simm.s32 $0x6380;
	[smem:$0x7FF] =	sst s3;
	s7 =	smul.u32 $0x320000, s6  }
0xa: {  	s22 =	sshrl.u32 s5, $0x1;
	s26 =	smul.u32 $0x64000, s6;
	s11 =	sadd.s32 s24, s9  }
0xb: {  	s24 =	simm.s32 $0x4;
	_ =	strace $0x80000047;
	s8 =	ssub.s32 s5, s22  }
0xc: {  	s0 =	sadd.s32 s0, s11;
	s11 =	simm.s32 $0x7;
	s22 =	simm.s32 $0x1A400  }
0xd: {  	s4 =	sshrl.u32 s4, $0x3;
	s23 =	sshrl.u32 s7, $0x3;
	s8 =	smax.u32 s8, $0x1  }
0xe: {  	s17 =	sadd.s32 $0x3000, s0;
	s2 =	sadd.s32 s4, s2;
	s25 =	sadd.s32 s9, s23  }
0xf: {  	s9 =	sadd.s32 s9, s26;
	s23 =	simm.s32 $0x1;
	s26 =	simm.s32 $0x5  }
0x10: {  	s4 =	sadd.s32 $0x400, s2;
	s5 =	sadd.s32 $0x61000, s25;
	s6 =	sadd.s32 $0x62000, s25  }
0x11: {  	s7 =	sadd.s32 $0x63000, s25;
	s25 =	simm.s32 $0x2;
	s2 =	simm.s32 $0x0  }
.LBB2_1:
0x12: {  	[tilespmem:s3], [sflag:$0x7] =	stream.linear.gather [hbm4b:s4+s3], $0x6400, $0x38;
	[tilespmem:$0x1E400] =	vst v63  }
0x13: {  	_ =	swait.ge [sflag:s11], $0x6400  }
0x14: {  	[sflag:s11] =	ssyncset.done $0x0  }
0x15: {  	[sflag:s11] =	ssyncadd.s32 $0xFFFF9C00  }
0x16: {  	[tilespmem:s13], [sflag:$0x1] =	stream.indirect.gather [hbm4b:s1+s12], $0x80, s3, s12, $0xb8;
	[tilespmem:$0x1E400] =	vst v63  }
0x17: {  	_ = 	snop  }
0x18: {  	[tilespmem:s14], [sflag:$0x1] =	stream.indirect.gather [hbm4b:s1+s12], $0x80, s12, s12, $0xb8;
	[tilespmem:$0x1E400] =	vst v63  }
0x19: {  	s0 =	simm.s32 $0x100  }
0x1a: {  	[tilespmem:s16], [sflag:$0x2] =	stream.indirect.gather [hbm4b:s1+s12], $0x80, s0, s12, $0xb8;
	[tilespmem:$0x1E400] =	vst v63  }
0x1b: {  	s15 =	simm.s32 $0x180  }
0x1c: {  	[tilespmem:s18], [sflag:$0x2] =	stream.indirect.gather [hbm4b:s1+s12], $0x80, s15, s12, $0xb8;
	[tilespmem:$0x1E400] =	vst v63  }
0x1d: {  	s19 =	simm.s32 $0x200  }
0x1e: {  	[tilespmem:s20], [sflag:$0x3] =	stream.indirect.gather [hbm4b:s1+s12], $0x80, s19, s12, $0xb8;
	[tilespmem:$0x1E400] =	vst v63  }
0x1f: {  	s21 =	simm.s32 $0x280  }
0x20: {  	[tilespmem:s22], [sflag:$0x3] =	stream.indirect.gather [hbm4b:s1+s12], $0x80, s21, s12, $0xb8;
	[tilespmem:$0x1E400] =	vst v63  }
0x21: {  	_ =	swait.ge [sflag:s23], $0x4000  }
0x22: {  	[sflag:s23] =	ssyncset.done $0x0  }
0x23: {  	[sflag:s23] =	ssyncadd.s32 $0xFFFFC000  }
0x24: {  	_ =	swait.ge [sflag:s23], $0x4000  }
0x25: {  	[sflag:s23] =	ssyncset.done $0x0  }
0x26: {  	[sflag:s23] =	ssyncadd.s32 $0xFFFFC000  }
0x27: {  	[hbm4b:s9+s3] =	stream.linear.scatter [tilespmem:s13], [sflag:$0x4], $0x8000, $0x38;
	[tilespmem:$0x1E400] =	vst v63  }
0x28: {  	_ =	swait.ge [sflag:s24], $0x8000  }
0x29: {  	[sflag:s24] =	ssyncset.done $0x0  }
0x2a: {  	s10 =	simm.s32 $0x300;
	[sflag:s24] =	ssyncadd.s32 $0xFFFF8000  }
0x2b: {  	[tilespmem:s13], [sflag:$0x1] =	stream.indirect.gather [hbm4b:s1+s12], $0x80, s10, s12, $0xb8;
	[tilespmem:$0x1E400] =	vst v63  }
0x2c: {  	s15 =	simm.s32 $0x380  }
0x2d: {  	[tilespmem:s14], [sflag:$0x1] =	stream.indirect.gather [hbm4b:s1+s12], $0x80, s15, s12, $0xb8;
	[tilespmem:$0x1E400] =	vst v63  }
0x2e: {  	_ =	swait.ge [sflag:s25], $0x4000  }
0x2f: {  	[sflag:s25] =	ssyncset.done $0x0  }
0x30: {  	[sflag:s25] =	ssyncadd.s32 $0xFFFFC000  }
0x31: {  	_ =	swait.ge [sflag:s25], $0x4000  }
0x32: {  	[sflag:s25] =	ssyncset.done $0x0  }
0x33: {  	s19 =	sadd.s32 $0xFFFFE000, s17;
	[sflag:s25] =	ssyncadd.s32 $0xFFFFC000  }
0x34: {  	[hbm4b:s19+s3] =	stream.linear.scatter [tilespmem:s16], [sflag:$0x5], $0x8000, $0x38;
	[tilespmem:$0x1E400] =	vst v63  }
0x35: {  	_ =	swait.ge [sflag:s26], $0x8000  }
0x36: {  	[sflag:s26] =	ssyncset.done $0x0  }
0x37: {  	s21 =	simm.s32 $0x400;
	[sflag:s26] =	ssyncadd.s32 $0xFFFF8000  }
0x38: {  	[tilespmem:s16], [sflag:$0x2] =	stream.indirect.gather [hbm4b:s1+s12], $0x80, s21, s12, $0xb8;
	[tilespmem:$0x1E400] =	vst v63  }
0x39: {  	s10 =	simm.s32 $0x480  }
0x3a: {  	[tilespmem:s18], [sflag:$0x2] =	stream.indirect.gather [hbm4b:s1+s12], $0x80, s10, s12, $0xb8;
	[tilespmem:$0x1E400] =	vst v63  }
0x3b: {  	_ =	swait.ge [sflag:s28], $0x4000  }
0x3c: {  	[sflag:s28] =	ssyncset.done $0x0  }
0x3d: {  	[sflag:s28] =	ssyncadd.s32 $0xFFFFC000  }
0x3e: {  	_ =	swait.ge [sflag:s28], $0x4000  }
0x3f: {  	[sflag:s28] =	ssyncset.done $0x0  }
0x40: {  	s15 =	sadd.s32 $0xFFFFF000, s17;
	[sflag:s28] =	ssyncadd.s32 $0xFFFFC000  }
0x41: {  	[hbm4b:s15+s3] =	stream.linear.scatter [tilespmem:s20], [sflag:$0x6], $0x8000, $0x38;
	[tilespmem:$0x1E400] =	vst v63  }
0x42: {  	_ =	swait.ge [sflag:s29], $0x8000  }
0x43: {  	[sflag:s29] =	ssyncset.done $0x0  }
0x44: {  	s19 =	simm.s32 $0x500;
	[sflag:s29] =	ssyncadd.s32 $0xFFFF8000  }
0x45: {  	[tilespmem:s20], [sflag:$0x3] =	stream.indirect.gather [hbm4b:s1+s12], $0x80, s19, s12, $0xb8;
	[tilespmem:$0x1E400] =	vst v63  }
0x46: {  	s21 =	simm.s32 $0x580  }
0x47: {  	[tilespmem:s22], [sflag:$0x3] =	stream.indirect.gather [hbm4b:s1+s12], $0x80, s21, s12, $0xb8;
	[tilespmem:$0x1E400] =	vst v63  }
0x48: {  	_ =	swait.ge [sflag:s23], $0x4000  }
0x49: {  	[sflag:s23] =	ssyncset.done $0x0  }
0x4a: {  	[sflag:s23] =	ssyncadd.s32 $0xFFFFC000  }
0x4b: {  	_ =	swait.ge [sflag:s23], $0x4000  }
0x4c: {  	s0 =	simm.s32 $0xC00;
	[sflag:s23] =	ssyncset.done $0x0  }
0x4d: {  	s10 =	smov.u32 s17;
	s15 =	sadd.s32 $0x3000, s17;
	[sflag:s23] =	ssyncadd.s32 $0xFFFFC000  }
.LBB2_2:
0x4e: {  	[hbm4b:s10+s3] =	stream.linear.scatter [tilespmem:s13], [sflag:$0x4], $0x8000, $0x38;
	[tilespmem:$0x1E400] =	vst v63  }
0x4f: {  	s19 =	smov.u32 s0;
	s10 =	smov.u32 s15  }
0x50: {  	p0 =	sne.s32 s0, $0x17400;
	s0 =	sadd.s32 $0xC00, s0;
	_ =	swait.ge [sflag:s24], $0x8000  }
0x51: {  	s19 =	sshra.s32 s19, $0x2;
	[sflag:s24] =	ssyncset.done $0x0  }
0x52: {  	s21 =	sadd.s32 $0x300, s19;
	[sflag:s24] =	ssyncadd.s32 $0xFFFF8000  }
0x53: {  	[tilespmem:s13], [sflag:$0x1] =	stream.indirect.gather [hbm4b:s1+s12], $0x80, s21, s12, $0xb8;
	[tilespmem:$0x1E400] =	vst v63  }
0x54: {  	s21 =	sadd.s32 $0x380, s19  }
0x55: {  	[tilespmem:s14], [sflag:$0x1] =	stream.indirect.gather [hbm4b:s1+s12], $0x80, s21, s12, $0xb8;
	[tilespmem:$0x1E400] =	vst v63  }
0x56: {  	_ =	swait.ge [sflag:s25], $0x4000  }
0x57: {  	[sflag:s25] =	ssyncset.done $0x0  }
0x58: {  	[sflag:s25] =	ssyncadd.s32 $0xFFFFC000  }
0x59: {  	_ =	swait.ge [sflag:s25], $0x4000  }
0x5a: {  	[sflag:s25] =	ssyncset.done $0x0  }
0x5b: {  	s21 =	sadd.s32 $0xFFFFE000, s15;
	[sflag:s25] =	ssyncadd.s32 $0xFFFFC000  }
0x5c: {  	[hbm4b:s21+s3] =	stream.linear.scatter [tilespmem:s16], [sflag:$0x5], $0x8000, $0x38;
	[tilespmem:$0x1E400] =	vst v63  }
0x5d: {  	_ =	swait.ge [sflag:s26], $0x8000  }
0x5e: {  	[sflag:s26] =	ssyncset.done $0x0  }
0x5f: {  	s21 =	sadd.s32 $0x400, s19;
	[sflag:s26] =	ssyncadd.s32 $0xFFFF8000  }
0x60: {  	[tilespmem:s16], [sflag:$0x2] =	stream.indirect.gather [hbm4b:s1+s12], $0x80, s21, s12, $0xb8;
	[tilespmem:$0x1E400] =	vst v63  }
0x61: {  	s21 =	sadd.s32 $0x480, s19  }
0x62: {  	[tilespmem:s18], [sflag:$0x2] =	stream.indirect.gather [hbm4b:s1+s12], $0x80, s21, s12, $0xb8;
	[tilespmem:$0x1E400] =	vst v63  }
0x63: {  	_ =	swait.ge [sflag:s28], $0x4000  }
0x64: {  	[sflag:s28] =	ssyncset.done $0x0  }
0x65: {  	[sflag:s28] =	ssyncadd.s32 $0xFFFFC000  }
0x66: {  	_ =	swait.ge [sflag:s28], $0x4000  }
0x67: {  	[sflag:s28] =	ssyncset.done $0x0  }
0x68: {  	s21 =	sadd.s32 $0xFFFFF000, s15;
	[sflag:s28] =	ssyncadd.s32 $0xFFFFC000  }
0x69: {  	[hbm4b:s21+s3] =	stream.linear.scatter [tilespmem:s20], [sflag:$0x6], $0x8000, $0x38;
	[tilespmem:$0x1E400] =	vst v63  }
0x6a: {  	_ =	swait.ge [sflag:s29], $0x8000  }
0x6b: {  	[sflag:s29] =	ssyncset.done $0x0  }
0x6c: {  	s21 =	sadd.s32 $0x500, s19;
	[sflag:s29] =	ssyncadd.s32 $0xFFFF8000  }
0x6d: {  	[tilespmem:s20], [sflag:$0x3] =	stream.indirect.gather [hbm4b:s1+s12], $0x80, s21, s12, $0xb8;
	[tilespmem:$0x1E400] =	vst v63  }
0x6e: {  	s19 =	sadd.s32 $0x580, s19  }
0x6f: {  	[tilespmem:s22], [sflag:$0x3] =	stream.indirect.gather [hbm4b:s1+s12], $0x80, s19, s12, $0xb8;
	[tilespmem:$0x1E400] =	vst v63  }
0x70: {  	_ =	swait.ge [sflag:s23], $0x4000  }
.Ltmp0:
0x71: {  	[sflag:s23] =	ssyncset.done $0x0;
	(pc) =	sbr.rel @p0 .LBB2_2-.Ltmp0, $4  }
0x72: {  	[sflag:s23] =	ssyncadd.s32 $0xFFFFC000  }
0x73: {  	_ =	swait.ge [sflag:s23], $0x4000  }
0x74: {  	[sflag:s23] =	ssyncset.done $0x0  }
0x75: {  	s15 =	sadd.s32 $0x3000, s15;
	[sflag:s23] =	ssyncadd.s32 $0xFFFFC000  }
0x76: {  	[hbm4b:s10+s3] =	stream.linear.scatter [tilespmem:s13], [sflag:$0x4], $0x8000, $0x38;
	[tilespmem:$0x1E400] =	vst v63  }
0x77: {  	_ =	swait.ge [sflag:s24], $0x8000  }
0x78: {  	[sflag:s24] =	ssyncset.done $0x0  }
0x79: {  	[sflag:s24] =	ssyncadd.s32 $0xFFFF8000  }
0x7a: {  	[tilespmem:s13], [sflag:$0x1] =	stream.indirect.gather [hbm4b:s1+s12], $0x80, s30, s12, $0xb8;
	[tilespmem:$0x1E400] =	vst v63  }
0x7b: {  	_ = 	snop  }
0x7c: {  	[tilespmem:s14], [sflag:$0x1] =	stream.indirect.gather [hbm4b:s1+s12], $0x80, s31, s12, $0xb8;
	[tilespmem:$0x1E400] =	vst v63  }
0x7d: {  	_ =	swait.ge [sflag:s25], $0x4000  }
0x7e: {  	[sflag:s25] =	ssyncset.done $0x0  }
0x7f: {  	[sflag:s25] =	ssyncadd.s32 $0xFFFFC000  }
0x80: {  	_ =	swait.ge [sflag:s25], $0x4000  }
0x81: {  	[sflag:s25] =	ssyncset.done $0x0  }
0x82: {  	[sflag:s25] =	ssyncadd.s32 $0xFFFFC000  }
0x83: {  	[hbm4b:s5+s3] =	stream.linear.scatter [tilespmem:s16], [sflag:$0x5], $0x8000, $0x38;
	[tilespmem:$0x1E400] =	vst v63  }
0x84: {  	_ =	swait.ge [sflag:s28], $0x4000  }
0x85: {  	[sflag:s28] =	ssyncset.done $0x0  }
0x86: {  	[sflag:s28] =	ssyncadd.s32 $0xFFFFC000  }
0x87: {  	_ =	swait.ge [sflag:s28], $0x4000  }
0x88: {  	[sflag:s28] =	ssyncset.done $0x0  }
0x89: {  	[sflag:s28] =	ssyncadd.s32 $0xFFFFC000  }
0x8a: {  	[hbm4b:s6+s3] =	stream.linear.scatter [tilespmem:s20], [sflag:$0x6], $0x8000, $0x38;
	[tilespmem:$0x1E400] =	vst v63  }
0x8b: {  	_ =	swait.ge [sflag:s23], $0x4000  }
0x8c: {  	[sflag:s23] =	ssyncset.done $0x0  }
0x8d: {  	[sflag:s23] =	ssyncadd.s32 $0xFFFFC000  }
0x8e: {  	_ =	swait.ge [sflag:s23], $0x4000  }
0x8f: {  	[sflag:s23] =	ssyncset.done $0x0  }
0x90: {  	[sflag:s23] =	ssyncadd.s32 $0xFFFFC000  }
0x91: {  	[hbm4b:s7+s3] =	stream.linear.scatter [tilespmem:s13], [sflag:$0x4], $0x8000, $0x38;
	[tilespmem:$0x1E400] =	vst v63  }
0x92: {  	_ =	swait.ge [sflag:s26], $0x8000  }
0x93: {  	[sflag:s26] =	ssyncset.done $0x0  }
0x94: {  	s2 =	sadd.s32 $0x1, s2;
	[sflag:s26] =	ssyncadd.s32 $0xFFFF8000  }
0x95: {  	p0 =	sne.s32 s2, s8;
	_ =	swait.ge [sflag:s29], $0x8000  }
.Ltmp1:
0x96: {  	[sflag:s29] =	ssyncset.done $0x0;
	(pc) =	sbr.rel @p0 .LBB2_1-.Ltmp1, $4  }
0x97: {  	[sflag:s29] =	ssyncadd.s32 $0xFFFF8000  }
0x98: {  	_ =	swait.ge [sflag:s24], $0x8000  }
0x99: {  	[sflag:s24] =	ssyncset.done $0x0  }
0x9a: {  	[sflag:s24] =	ssyncadd.s32 $0xFFFF8000  }
0x9b: {  	_ =	sfence.sel $0x180000  }
0x9c: {  	[bflag:$0x0] =	sbarrier.arrive $0xFFFF  }
0x9d: {  	_ =	strace $0x90000047  }
0x9e: {  	s0 =	stileid.u32;
	[bflag:$0x2] =	sbarrier.arrive $0xFFFF  }
0x9f: {  	p0 =	sne.s32 s0, $0x0;
	s0 =	rddreg [dreg:$0x3]  }
0xa0: {  	s0 =	sadd.s32 @!p0 $0x100000, s0  }
0xa1: {  	[sflag:s0] =	ssyncadd.tile.s32 @!p0 $0x1;
	_ =	shalt  }
.Lfunc_end2:
_tile_overlayer_lowered:
.L_overlay_start_2:
0xa2: {  	(tag) =	ssettag $0x2  }
0xa3: {  	s0 =	rddreg [dreg:$0x0];
	s2 =	stileid.u32  }
0xa4: {  	s1 =	rddreg [dreg:$0x1];
	p0 =	sne.s32 s2, $0x0  }
0xa5: {  	s3 =	rddreg [dreg:$0x2];
	[bflag:$0x3] =	sbarrier.arrive $0xFFFF;
	s2 =	simm.s32 @!p0 $0x1C07  }
0xa6: {  	[timem:s3], [sflag:s2] =	dma.local @!p0 [hbm:s0], s1  }
0xa7: {  	s0 =	simm.s32 @!p0 $0x7  }
0xa8: {  	_ =	swait.ge @!p0 [sflag:s0], s1  }
0xa9: {  	s1 =	ssub.s32 @!p0 $0x0, s1;
	[sflag:s0] =	ssyncset.done @!p0 $0x0  }
0xaa: {  	[sflag:s0] =	ssyncadd.s32 @!p0 s1  }
0xab: {  	[bflag:$0x3] =	sbarrier.arrive $0xFFFF  }
0xac: {  	_ =	shalt  }

</sc_bundles>
